<compile_context>
chip_gen: v7x
topology: tpu7x:2x2x1
jax: 0.10.2.dev20260603
libtpu: 0.0.44.dev20260713+nightly
codegen_flags: <defaults>
</compile_context>

<pallas_src>
import functools

import jax
import jax.numpy as jnp
from jax import lax
from jax.experimental import pallas as pl
from jax.experimental.pallas import tpu as pltpu
from jax.experimental.pallas import tpu_sc as plsc

B = 1024
D = 128
K = 10
POOL = 100000
CHUNK = 1024
NCHUNK = 98
PPAD = NCHUNK * CHUNK

_INF = float("inf")
_BIGI = 2**31 - 1

_NC = 2
_NS = 16
_NW = _NC * _NS
_BPW = (B * K) // _NW
_DT = 144


def _topk_body(x_ref, a2_ref, pool_ref, b2_ref, out_idx_ref, v_ref,
               rv_ref, ri_ref):
    j = pl.program_id(0)

    @pl.when(j == 0)
    def _init():
        rv_ref[...] = jnp.full_like(rv_ref, _INF)
        ri_ref[...] = jnp.full_like(ri_ref, _BIGI)

    mm = lax.dot_general(x_ref[...], pool_ref[...], (((1,), (1,)), ((), ())),
                         preferred_element_type=jnp.float32)
    d2 = a2_ref[...] + b2_ref[0] - 2.0 * mm
    v = jnp.sqrt(jnp.maximum(d2, 0.0))
    tau = rv_ref[:, K - 1:K]
    qual = v < tau
    v_ref[...] = jnp.where(qual, v, _INF)
    nmax = jnp.max(jnp.sum(qual.astype(jnp.int32), axis=1))

    colid = lax.broadcasted_iota(jnp.int32, (B, CHUNK), 1).astype(jnp.float32)
    c16 = lax.broadcasted_iota(jnp.int32, (B, 16), 1)
    base = j * CHUNK
    def _round(k, carry):
        vv = v_ref[...]
        m = jnp.min(vv, axis=1, keepdims=True)
        eq = vv == m
        ik = jnp.min(jnp.where(eq, colid, _INF), axis=1, keepdims=True)
        v_ref[...] = jnp.where(eq & (colid == ik), _INF, vv)
        gi = jnp.where(m < _INF, base + ik.astype(jnp.int32), _BIGI)

        rv = rv_ref[...]
        ri = ri_ref[...]
        less = (rv < m) | ((rv == m) & (ri < gi))
        pos = jnp.sum(less.astype(jnp.int32), axis=1, keepdims=True)
        rvs = jnp.concatenate([rv[:, :1], rv[:, :15]], axis=1)
        ris = jnp.concatenate([ri[:, :1], ri[:, :15]], axis=1)
        at = c16 == pos
        keep = c16 < pos
        rv_ref[...] = jnp.where(keep, rv, jnp.where(at, m, rvs))
        ri_ref[...] = jnp.where(keep, ri, jnp.where(at, gi, ris))
        return carry

    lax.fori_loop(0, jnp.minimum(nmax, K), _round, 0)

    @pl.when(j == NCHUNK - 1)
    def _out():
        out_idx_ref[...] = ri_ref[...]


_topk_call = pl.pallas_call(
    _topk_body,
    grid=(NCHUNK,),
    in_specs=[
        pl.BlockSpec((B, D), lambda j: (0, 0)),
        pl.BlockSpec((B, 1), lambda j: (0, 0)),
        pl.BlockSpec((CHUNK, D), lambda j: (j, 0)),
        pl.BlockSpec((1, 1, CHUNK), lambda j: (j, 0, 0)),
    ],
    out_specs=pl.BlockSpec((B, 16), lambda j: (0, 0)),
    out_shape=jax.ShapeDtypeStruct((B, 16), jnp.int32),
    scratch_shapes=[
        pltpu.VMEM((B, CHUNK), jnp.float32),
        pltpu.VMEM((B, 16), jnp.float32),
        pltpu.VMEM((B, 16), jnp.int32),
    ],
)


@functools.cache
def _sc_gather_fn():
    @functools.partial(
        pl.kernel,
        out_type=jax.ShapeDtypeStruct((B * K, _DT), jnp.float32),
        mesh=plsc.VectorSubcoreMesh(core_axis_name="c", subcore_axis_name="s",
                                    num_cores=_NC, num_subcores=_NS),
        scratch_types=[
            pltpu.VMEM((_BPW,), jnp.int32),
            pltpu.VMEM((_BPW, _DT), jnp.float32),
            pltpu.SemaphoreType.DMA,
        ],
        compiler_params=pltpu.CompilerParams(use_tc_tiling_on_sc=False),
    )
    def _sc_gather(table_hbm, idx_hbm, out_hbm, idx_v, rows_v, sem):
        wid = lax.axis_index("s") * _NC + lax.axis_index("c")
        base = wid * _BPW
        pltpu.sync_copy(idx_hbm.at[pl.ds(base, _BPW)], idx_v)
        pltpu.async_copy(table_hbm.at[idx_v], rows_v, sem).wait()
        pltpu.sync_copy(rows_v, out_hbm.at[pl.ds(base, _BPW)])

    return _sc_gather


def kernel(x, pool_x, pool_y):
    a2 = jnp.sum(x * x, axis=1, keepdims=True)
    b2 = jnp.sum(pool_x * pool_x, axis=1)
    b2p = jnp.pad(b2, (0, PPAD - POOL), constant_values=jnp.inf)
    b2p = b2p.reshape(NCHUNK, 1, CHUNK)
    poolp = jnp.pad(pool_x, ((0, PPAD - POOL), (0, 0)))

    idx16 = _topk_call(x, a2, poolp, b2p)
    idx = idx16[:, :K].reshape(B * K)

    table = jnp.concatenate(
        [pool_x, pool_y, jnp.zeros((POOL, _DT - D - 1), jnp.float32)], axis=1)
    rows = _sc_gather_fn()(table, idx)
    return rows[:, :D + 1].reshape(B, K, D + 1)

# --- scband reference (transcript-rebuilt; emitter-appended) ---
"""Pipeline reference for scband-retrieval-enhanced-mbo-21045339750712 (READ-ONLY COPY).

The authoritative reference and input builder live on the scoring server;
editing this copy changes nothing except your own understanding.
"""

import jax, jax.numpy as jnp
import numpy as np

SIZE_RETRIEVAL_SET = 10


def setup_inputs(seed: int = 0) -> dict:
    key = jax.random.key(seed)
    k1, k2, k3 = jax.random.split(key, 3)
    x = jax.random.normal(k1, (1024, 128), dtype=jnp.float32)
    pool_x = jax.random.normal(k2, (100000, 128), dtype=jnp.float32)
    pool_y = jax.random.normal(k3, (100000, 1), dtype=jnp.float32)
    return {"x": x, "pool_x": pool_x, "pool_y": pool_y}


def _cdist(a, b):
    # Euclidean cdist via ||a||^2 + ||b||^2 - 2 a.b (matches torch.cdist p=2)
    a2 = jnp.sum(a * a, axis=1, keepdims=True)
    b2 = jnp.sum(b * b, axis=1)[None, :]
    d2 = a2 + b2 - 2.0 * (a @ b.T)
    return jnp.sqrt(jnp.maximum(d2, 0.0))


def reference(x, pool_x, pool_y):
    # search_engine with retrieval_method='distance'.
    # The torch code chunks pool_x into batches of 128 and concatenates the
    # per-chunk cdist results along dim 1; that is mathematically identical to
    # one full cdist, which we compute directly.
    distance = _cdist(x, pool_x)  # [B, P]
    # torch: sort ascending, take first size_retrieval_set indices
    # == top_k of negated distances
    _, indices = jax.lax.top_k(-distance, SIZE_RETRIEVAL_SET)  # [B, K]
    retrieval_x = jnp.take(pool_x, indices, axis=0)  # [B, K, d]
    retrieval_y = jnp.take(pool_y, indices, axis=0)  # [B, K, 1]
    retrieval_set = jnp.concatenate([retrieval_x, retrieval_y], axis=2)  # [B, K, d+1]
    return retrieval_set

if __name__ == "__main__":
    import jax
    _d = setup_inputs()
    print(jax.jit(kernel)(*tuple(_d.values())))

</pallas_src>

<mosaic_0001>
#map = affine_map<(d0, d1) -> (0, 0)>
#map1 = affine_map<(d0, d1) -> (0)>
module attributes {stable_mosaic.version = 14 : i64} {
  func.func @_sc_gather(%arg0: i32, %arg1: i32, %arg2: memref<100000x144xf32, #tpu.memory_space<hbm>>, %arg3: memref<10240xi32, #tpu.memory_space<hbm>>, %arg4: memref<10240x144xf32, #tpu.memory_space<hbm>>, %arg5: memref<320xi32, #tpu.memory_space<vmem>>, %arg6: memref<320x144xf32, #tpu.memory_space<vmem>>, %arg7: memref<!tpu.dma_semaphore, #tpu.memory_space<semaphore_mem>>) attributes {dimension_semantics = [#tpu.dimension_semantics<core_parallel>, #tpu.dimension_semantics<subcore_parallel>], iteration_bounds = array<i64: 2, 16>, scalar_prefetch = 0 : i64, scratch_operands = 3 : i64, tpu.core_type = #tpu.core_type<sc_vector_subcore>, window_params = [{transform_indices = #map}, {transform_indices = #map1}, {transform_indices = #map}]} {
    %mul3A = arith.constant 2 : i32
    %mul3A_0 = arith.muli %arg1, %mul3A : i32
    %add3A = arith.addi %mul3A_0, %arg0 : i32
    %mul3A_1 = arith.constant 320 : i32
    %mul3A_2 = arith.muli %add3A, %mul3A_1 : i32
    "tpu.region"() ({
      %run_scoped3A = tpu.sem_alloc : memref<!tpu.dma_semaphore, #tpu.memory_space<semaphore_mem>>
      %dma_start3A_7 = tpu.memref_slice %arg3[%mul3A_2] : memref<10240xi32, #tpu.memory_space<hbm>> -> memref<320xi32, #tpu.memory_space<hbm>>
      %dma_start3A_8 = tpu.memref_slice %arg3[%mul3A_2] : memref<10240xi32, #tpu.memory_space<hbm>> -> memref<320xi32, #tpu.memory_space<hbm>>
      tpu.enqueue_dma source(%dma_start3A_8 : memref<320xi32, #tpu.memory_space<hbm>>) target(%arg5 : memref<320xi32, #tpu.memory_space<vmem>>) target_semaphore(%run_scoped3A : memref<!tpu.dma_semaphore, #tpu.memory_space<semaphore_mem>>)
      %dma_wait3A_9 = tpu.memref_slice %arg3[%mul3A_2] : memref<10240xi32, #tpu.memory_space<hbm>> -> memref<320xi32, #tpu.memory_space<hbm>>
      %dma_wait3A_10 = tpu.memref_slice %arg3[%mul3A_2] : memref<10240xi32, #tpu.memory_space<hbm>> -> memref<320xi32, #tpu.memory_space<hbm>>
      tpu.wait_dma2 semaphore(%run_scoped3A : memref<!tpu.dma_semaphore, #tpu.memory_space<semaphore_mem>>) src(%dma_wait3A_10 : memref<320xi32, #tpu.memory_space<hbm>>) dst(%arg5 : memref<320xi32, #tpu.memory_space<vmem>>)
      tpu.yield
    }) : () -> ()
    %dma_start3A = arith.constant 0 : i32
    %dma_start3A_3 = arith.constant 0 : i32
    %dma_start3A_4 = tpu.memref_slice %arg2[%dma_start3A, %dma_start3A_3] : memref<100000x144xf32, #tpu.memory_space<hbm>> -> memref<100000x144xf32, #tpu.memory_space<hbm>>
    tpu.enqueue_indirect_dma source(%dma_start3A_4 : memref<100000x144xf32, #tpu.memory_space<hbm>>) target(%arg6 : memref<320x144xf32, #tpu.memory_space<vmem>>) offsets(%arg5 : memref<320xi32, #tpu.memory_space<vmem>>) semaphore(%arg7 : memref<!tpu.dma_semaphore, #tpu.memory_space<semaphore_mem>>)
    %dma_wait3A = arith.constant 0 : i32
    %dma_wait3A_5 = arith.constant 0 : i32
    %dma_wait3A_6 = tpu.memref_slice %arg2[%dma_wait3A, %dma_wait3A_5] : memref<100000x144xf32, #tpu.memory_space<hbm>> -> memref<100000x144xf32, #tpu.memory_space<hbm>>
    tpu.wait_indirect_dma semaphore(%arg7 : memref<!tpu.dma_semaphore, #tpu.memory_space<semaphore_mem>>) src(%dma_wait3A_6 : memref<100000x144xf32, #tpu.memory_space<hbm>>) dst(%arg6 : memref<320x144xf32, #tpu.memory_space<vmem>>)
    "tpu.region"() ({
      %run_scoped3A = tpu.sem_alloc : memref<!tpu.dma_semaphore, #tpu.memory_space<semaphore_mem>>
      %dma_start3A_7 = arith.constant 0 : i32
      %dma_start3A_8 = tpu.memref_slice %arg4[%mul3A_2, %dma_start3A_7] : memref<10240x144xf32, #tpu.memory_space<hbm>> -> memref<320x144xf32, #tpu.memory_space<hbm>>
      %dma_start3A_9 = arith.constant 0 : i32
      %dma_start3A_10 = tpu.memref_slice %arg4[%mul3A_2, %dma_start3A_9] : memref<10240x144xf32, #tpu.memory_space<hbm>> -> memref<320x144xf32, #tpu.memory_space<hbm>>
      tpu.enqueue_dma source(%arg6 : memref<320x144xf32, #tpu.memory_space<vmem>>) target(%dma_start3A_10 : memref<320x144xf32, #tpu.memory_space<hbm>>) target_semaphore(%run_scoped3A : memref<!tpu.dma_semaphore, #tpu.memory_space<semaphore_mem>>)
      %dma_wait3A_11 = arith.constant 0 : i32
      %dma_wait3A_12 = tpu.memref_slice %arg4[%mul3A_2, %dma_wait3A_11] : memref<10240x144xf32, #tpu.memory_space<hbm>> -> memref<320x144xf32, #tpu.memory_space<hbm>>
      %dma_wait3A_13 = arith.constant 0 : i32
      %dma_wait3A_14 = tpu.memref_slice %arg4[%mul3A_2, %dma_wait3A_13] : memref<10240x144xf32, #tpu.memory_space<hbm>> -> memref<320x144xf32, #tpu.memory_space<hbm>>
      tpu.wait_dma2 semaphore(%run_scoped3A : memref<!tpu.dma_semaphore, #tpu.memory_space<semaphore_mem>>) src(%arg6 : memref<320x144xf32, #tpu.memory_space<vmem>>) dst(%dma_wait3A_14 : memref<320x144xf32, #tpu.memory_space<hbm>>)
      tpu.yield
    }) : () -> ()
    return
  }
}

module attributes {stable_mosaic.version = 14 : i64} {
  func.func @_topk_body(%arg0: i32, %arg1: memref<1024x128xf32, #tpu.memory_space<vmem>>, %arg2: memref<1024x1xf32, #tpu.memory_space<vmem>>, %arg3: memref<1024x128xf32, #tpu.memory_space<vmem>>, %arg4: memref<1x1x1024xf32, #tpu.memory_space<vmem>>, %arg5: memref<1024x16xi32, #tpu.memory_space<vmem>>, %arg6: memref<1024x1024xf32, #tpu.memory_space<vmem>>, %arg7: memref<1024x16xf32, #tpu.memory_space<vmem>>, %arg8: memref<1024x16xi32, #tpu.memory_space<vmem>>) attributes {dimension_semantics = [#tpu.dimension_semantics<arbitrary>], iteration_bounds = array<i64: 98>, scalar_prefetch = 0 : i64, scratch_operands = 3 : i64, tpu.core_type = #tpu.core_type<tc>, window_params = [{pipeline_mode = #tpu.pipeline_mode<synchronous>, transform_indices = @transform_0, window_bounds = array<i64: 1024, 128>}, {pipeline_mode = #tpu.pipeline_mode<synchronous>, transform_indices = @transform_1, window_bounds = array<i64: 1024, 1>}, {transform_indices = @transform_2, window_bounds = array<i64: 1024, 128>}, {transform_indices = @transform_3, window_bounds = array<i64: 1, 1, 1024>}, {pipeline_mode = #tpu.pipeline_mode<synchronous>, transform_indices = @transform_4, window_bounds = array<i64: 1024, 16>}]} {
    %eq3A = arith.constant 0 : i32
    %eq3A_0 = arith.cmpi eq, %arg0, %eq3A : i32
    %convert_element_type3A = arith.extui %eq3A_0 : i1 to i32
    %cond3A = arith.constant 0 : i32
    %cond3A_1 = arith.cmpi ne, %convert_element_type3A, %cond3A : i32
    scf.if %cond3A_1 {
      %broadcast_in_dim3A_53 = arith.constant 0x7F800000 : f32
      %broadcast_in_dim3A_54 = vector.broadcast %broadcast_in_dim3A_53 : f32 to vector<1024x16xf32>
      %swap3A_55 = arith.constant 0 : index
      %swap3A_56 = arith.constant 0 : index
      %swap3A_57 = vector.load %arg7[%swap3A_55, %swap3A_56] : memref<1024x16xf32, #tpu.memory_space<vmem>>, vector<1024x16xf32>
      tpu.vector_store %arg7[%swap3A_55, %swap3A_56], %broadcast_in_dim3A_54 {strides = array<i32>} : memref<1024x16xf32, #tpu.memory_space<vmem>>, vector<1024x16xf32>,
      %broadcast_in_dim3A_58 = arith.constant 2147483647 : i32
      %broadcast_in_dim3A_59 = vector.broadcast %broadcast_in_dim3A_58 : i32 to vector<1024x16xi32>
      %swap3A_60 = arith.constant 0 : index
      %swap3A_61 = arith.constant 0 : index
      %swap3A_62 = vector.load %arg8[%swap3A_60, %swap3A_61] : memref<1024x16xi32, #tpu.memory_space<vmem>>, vector<1024x16xi32>
      tpu.vector_store %arg8[%swap3A_60, %swap3A_61], %broadcast_in_dim3A_59 {strides = array<i32>} : memref<1024x16xi32, #tpu.memory_space<vmem>>, vector<1024x16xi32>,
    } else {
    }
    %get3A = arith.constant 0 : index
    %get3A_2 = arith.constant 0 : index
    %get3A_3 = vector.load %arg1[%get3A, %get3A_2] : memref<1024x128xf32, #tpu.memory_space<vmem>>, vector<1024x128xf32>
    %get3A_4 = arith.constant 0 : index
    %get3A_5 = arith.constant 0 : index
    %get3A_6 = vector.load %arg3[%get3A_4, %get3A_5] : memref<1024x128xf32, #tpu.memory_space<vmem>>, vector<1024x128xf32>
    %dot_general3A = arith.constant dense<0.000000e+00> : vector<1024x1024xf32>
    %dot_general3A_7 = tpu.matmul %get3A_3, %get3A_6, %dot_general3A {dimension_numbers = #tpu.dot_dimension_numbers<[1], [1], [0], [0], [0, 0, 1, 0], [], []>, transpose_lhs_hint = false} : vector<1024x128xf32>, vector<1024x128xf32>, vector<1024x1024xf32> -> vector<1024x1024xf32>
    %get3A_8 = arith.constant 0 : index
    %get3A_9 = arith.constant 0 : index
    %get3A_10 = vector.load %arg2[%get3A_8, %get3A_9] : memref<1024x1xf32, #tpu.memory_space<vmem>>, vector<1024x1xf32>
    %get3A_11 = arith.constant 0 : index
    %get3A_12 = arith.constant 0 : index
    %get3A_13 = arith.constant 0 : index
    %get3A_14 = vector.load %arg4[%get3A_11, %get3A_12, %get3A_13] : memref<1x1x1024xf32, #tpu.memory_space<vmem>>, vector<1x1x1024xf32>
    %get3A_15 = vector.shape_cast %get3A_14 : vector<1x1x1024xf32> to vector<1x1024xf32>
    %add3A = vector.broadcast %get3A_10 : vector<1024x1xf32> to vector<1024x1024xf32>
    %add3A_16 = vector.broadcast %get3A_15 : vector<1x1024xf32> to vector<1024x1024xf32>
    %add3A_17 = arith.addf %add3A, %add3A_16 : vector<1024x1024xf32>
    %mul3A = arith.constant 2.000000e+00 : f32
    %mul3A_18 = vector.broadcast %mul3A : f32 to vector<1024x1024xf32>
    %mul3A_19 = arith.mulf %mul3A_18, %dot_general3A_7 : vector<1024x1024xf32>
    %sub3A = arith.subf %add3A_17, %mul3A_19 : vector<1024x1024xf32>
    %max3A = arith.constant 0.000000e+00 : f32
    %max3A_20 = vector.broadcast %max3A : f32 to vector<1024x1024xf32>
    %max3A_21 = arith.maximumf %sub3A, %max3A_20 : vector<1024x1024xf32>
    %sqrt3A = math.sqrt %max3A_21 : vector<1024x1024xf32>
    %get3A_22 = arith.constant 0 : index
    %get3A_23 = arith.constant 9 : index
    %get3A_24 = vector.load %arg7[%get3A_22, %get3A_23] : memref<1024x16xf32, #tpu.memory_space<vmem>>, vector<1024x1xf32>
    %lt3A = vector.broadcast %get3A_24 : vector<1024x1xf32> to vector<1024x1024xf32>
    %lt3A_25 = arith.cmpf olt, %sqrt3A, %lt3A : vector<1024x1024xf32>
    %jit3A = arith.constant 0x7F800000 : f32
    %broadcast_in_dim3A = vector.broadcast %jit3A : f32 to vector<1024x1024xf32>
    %select_n3A = arith.select %lt3A_25, %sqrt3A, %broadcast_in_dim3A : vector<1024x1024xi1>, vector<1024x1024xf32>
    %swap3A = arith.constant 0 : index
    %swap3A_26 = arith.constant 0 : index
    %swap3A_27 = vector.load %arg6[%swap3A, %swap3A_26] : memref<1024x1024xf32, #tpu.memory_space<vmem>>, vector<1024x1024xf32>
    tpu.vector_store %arg6[%swap3A, %swap3A_26], %select_n3A {strides = array<i32>} : memref<1024x1024xf32, #tpu.memory_space<vmem>>, vector<1024x1024xf32>,
    %convert_element_type3A_28 = arith.extui %lt3A_25 : vector<1024x1024xi1> to vector<1024x1024xi32>
    %reduce_sum3A = arith.constant dense<0> : vector<1024xi32>
    %reduce_sum3A_29 = vector.multi_reduction <add>, %convert_element_type3A_28, %reduce_sum3A [1] : vector<1024x1024xi32> to vector<1024xi32>
    %reduce_max3A = vector.shape_cast %reduce_sum3A_29 : vector<1024xi32> to vector<1x1024xi32>
    %reduce_max3A_30 = arith.constant dense<-2147483648> : vector<1xi32>
    %reduce_max3A_31 = vector.multi_reduction <maxsi>, %reduce_max3A, %reduce_max3A_30 [1] : vector<1x1024xi32> to vector<1xi32>
    %reduce_max3A_32 = vector.shape_cast %reduce_max3A_31 : vector<1xi32> to vector<1x1xi32>
    %reduce_max3A_33 = vector.extract %reduce_max3A_32[0, 0] : i32 from vector<1x1xi32>
    %iota3A = tpu.iota {dimensions = array<i32: 1>} : vector<1024x1024xi32>
    %convert_element_type3A_34 = arith.sitofp %iota3A : vector<1024x1024xi32> to vector<1024x1024xf32>
    %iota3A_35 = tpu.iota {dimensions = array<i32: 1>} : vector<1024x16xi32>
    %mul3A_36 = arith.constant 1024 : i32
    %mul3A_37 = arith.muli %arg0, %mul3A_36 : i32
    %min3A = arith.constant 10 : i32
    %min3A_38 = arith.minsi %reduce_max3A_33, %min3A : i32
    %while3A = arith.constant 0 : i32
    %while3A_39 = arith.constant 0 : i32
    %while3A_40 = arith.subi %min3A_38, %while3A_39 : i32
    %while3A_41 = arith.addi %while3A_39, %while3A_40 : i32
    %while3A_42 = arith.constant 1 : i32
    %while3A_43 = arith.divsi %while3A_40, %while3A_42 : i32
    %while3A_44 = arith.muli %while3A_43, %while3A_42 : i32
    %while3A_45 = arith.addi %while3A_39, %while3A_44 : i32
    %while3A_46 = arith.constant 1 : i32
    scf.for %while3A_53 = %while3A_39 to %while3A_45 step %while3A_46  : i32 {
      %get3A_54 = arith.constant 0 : index
      %get3A_55 = arith.constant 0 : index
      %get3A_56 = vector.load %arg6[%get3A_54, %get3A_55] : memref<1024x1024xf32, #tpu.memory_space<vmem>>, vector<1024x1024xf32>
      %reduce_min3A = arith.constant dense<0x7F800000> : vector<1024xf32>
      %reduce_min3A_57 = vector.multi_reduction <minimumf>, %get3A_56, %reduce_min3A [1] : vector<1024x1024xf32> to vector<1024xf32>
      %broadcast_in_dim3A_58 = vector.shape_cast %reduce_min3A_57 : vector<1024xf32> to vector<1024x1xf32>
      %eq3A_59 = vector.broadcast %broadcast_in_dim3A_58 : vector<1024x1xf32> to vector<1024x1024xf32>
      %eq3A_60 = arith.cmpf oeq, %get3A_56, %eq3A_59 : vector<1024x1024xf32>
      %jit3A_61 = arith.constant 0x7F800000 : f32
      %broadcast_in_dim3A_62 = vector.broadcast %jit3A_61 : f32 to vector<1024x1024xf32>
      %select_n3A_63 = arith.select %eq3A_60, %convert_element_type3A_34, %broadcast_in_dim3A_62 : vector<1024x1024xi1>, vector<1024x1024xf32>
      %reduce_min3A_64 = arith.constant dense<0x7F800000> : vector<1024xf32>
      %reduce_min3A_65 = vector.multi_reduction <minimumf>, %select_n3A_63, %reduce_min3A_64 [1] : vector<1024x1024xf32> to vector<1024xf32>
      %broadcast_in_dim3A_66 = vector.shape_cast %reduce_min3A_65 : vector<1024xf32> to vector<1024x1xf32>
      %eq3A_67 = vector.broadcast %broadcast_in_dim3A_66 : vector<1024x1xf32> to vector<1024x1024xf32>
      %eq3A_68 = arith.cmpf oeq, %convert_element_type3A_34, %eq3A_67 : vector<1024x1024xf32>
      %and3A = arith.andi %eq3A_60, %eq3A_68 : vector<1024x1024xi1>
      %jit3A_69 = arith.constant 0x7F800000 : f32
      %broadcast_in_dim3A_70 = vector.broadcast %jit3A_69 : f32 to vector<1024x1024xf32>
      %select_n3A_71 = arith.select %and3A, %broadcast_in_dim3A_70, %get3A_56 : vector<1024x1024xi1>, vector<1024x1024xf32>
      %swap3A_72 = arith.constant 0 : index
      %swap3A_73 = arith.constant 0 : index
      %swap3A_74 = vector.load %arg6[%swap3A_72, %swap3A_73] : memref<1024x1024xf32, #tpu.memory_space<vmem>>, vector<1024x1024xf32>
      tpu.vector_store %arg6[%swap3A_72, %swap3A_73], %select_n3A_71 {strides = array<i32>} : memref<1024x1024xf32, #tpu.memory_space<vmem>>, vector<1024x1024xf32>,
      %lt3A_75 = arith.constant 0x7F800000 : f32
      %lt3A_76 = vector.broadcast %lt3A_75 : f32 to vector<1024x1xf32>
      %lt3A_77 = arith.cmpf olt, %broadcast_in_dim3A_58, %lt3A_76 : vector<1024x1xf32>
      %convert_element_type3A_78 = arith.fptosi %broadcast_in_dim3A_66 : vector<1024x1xf32> to vector<1024x1xi32>
      %add3A_79 = vector.broadcast %mul3A_37 : i32 to vector<1024x1xi32>
      %add3A_80 = arith.addi %add3A_79, %convert_element_type3A_78 : vector<1024x1xi32>
      %jit3A_81 = arith.constant 2147483647 : i32
      %broadcast_in_dim3A_82 = vector.broadcast %jit3A_81 : i32 to vector<1024x1xi32>
      %select_n3A_83 = arith.select %lt3A_77, %add3A_80, %broadcast_in_dim3A_82 : vector<1024x1xi1>, vector<1024x1xi32>
      %get3A_84 = arith.constant 0 : index
      %get3A_85 = arith.constant 0 : index
      %get3A_86 = vector.load %arg7[%get3A_84, %get3A_85] : memref<1024x16xf32, #tpu.memory_space<vmem>>, vector<1024x16xf32>
      %get3A_87 = arith.constant 0 : index
      %get3A_88 = arith.constant 0 : index
      %get3A_89 = vector.load %arg8[%get3A_87, %get3A_88] : memref<1024x16xi32, #tpu.memory_space<vmem>>, vector<1024x16xi32>
      %lt3A_90 = vector.broadcast %broadcast_in_dim3A_58 : vector<1024x1xf32> to vector<1024x16xf32>
      %lt3A_91 = arith.cmpf olt, %get3A_86, %lt3A_90 : vector<1024x16xf32>
      %eq3A_92 = vector.broadcast %broadcast_in_dim3A_58 : vector<1024x1xf32> to vector<1024x16xf32>
      %eq3A_93 = arith.cmpf oeq, %get3A_86, %eq3A_92 : vector<1024x16xf32>
      %lt3A_94 = vector.broadcast %select_n3A_83 : vector<1024x1xi32> to vector<1024x16xi32>
      %lt3A_95 = arith.cmpi slt, %get3A_89, %lt3A_94 : vector<1024x16xi32>
      %and3A_96 = arith.andi %eq3A_93, %lt3A_95 : vector<1024x16xi1>
      %or3A = arith.ori %lt3A_91, %and3A_96 : vector<1024x16xi1>
      %convert_element_type3A_97 = arith.extui %or3A : vector<1024x16xi1> to vector<1024x16xi32>
      %reduce_sum3A_98 = arith.constant dense<0> : vector<1024xi32>
      %reduce_sum3A_99 = vector.multi_reduction <add>, %convert_element_type3A_97, %reduce_sum3A_98 [1] : vector<1024x16xi32> to vector<1024xi32>
      %broadcast_in_dim3A_100 = vector.shape_cast %reduce_sum3A_99 : vector<1024xi32> to vector<1024x1xi32>
      %slice3A = vector.extract_strided_slice %get3A_86 {offsets = [0, 0], sizes = [1024, 1], strides = [1, 1]} : vector<1024x16xf32> to vector<1024x1xf32>
      %slice3A_101 = vector.extract_strided_slice %get3A_86 {offsets = [0, 0], sizes = [1024, 15], strides = [1, 1]} : vector<1024x16xf32> to vector<1024x15xf32>
      %concatenate3A = tpu.concatenate %slice3A, %slice3A_101 in 1 : vector<1024x1xf32>, vector<1024x15xf32> -> vector<1024x16xf32>
      %slice3A_102 = vector.extract_strided_slice %get3A_89 {offsets = [0, 0], sizes = [1024, 1], strides = [1, 1]} : vector<1024x16xi32> to vector<1024x1xi32>
      %slice3A_103 = vector.extract_strided_slice %get3A_89 {offsets = [0, 0], sizes = [1024, 15], strides = [1, 1]} : vector<1024x16xi32> to vector<1024x15xi32>
      %concatenate3A_104 = tpu.concatenate %slice3A_102, %slice3A_103 in 1 : vector<1024x1xi32>, vector<1024x15xi32> -> vector<1024x16xi32>
      %eq3A_105 = vector.broadcast %broadcast_in_dim3A_100 : vector<1024x1xi32> to vector<1024x16xi32>
      %eq3A_106 = arith.cmpi eq, %iota3A_35, %eq3A_105 : vector<1024x16xi32>
      %lt3A_107 = vector.broadcast %broadcast_in_dim3A_100 : vector<1024x1xi32> to vector<1024x16xi32>
      %lt3A_108 = arith.cmpi slt, %iota3A_35, %lt3A_107 : vector<1024x16xi32>
      %broadcast_in_dim3A_109 = vector.shape_cast %broadcast_in_dim3A_58 : vector<1024x1xf32> to vector<1024x1xf32>
      %broadcast_in_dim3A_110 = vector.broadcast %broadcast_in_dim3A_109 : vector<1024x1xf32> to vector<1024x16xf32>
      %select_n3A_111 = arith.select %eq3A_106, %broadcast_in_dim3A_110, %concatenate3A : vector<1024x16xi1>, vector<1024x16xf32>
      %select_n3A_112 = arith.select %lt3A_108, %get3A_86, %select_n3A_111 : vector<1024x16xi1>, vector<1024x16xf32>
      %swap3A_113 = arith.constant 0 : index
      %swap3A_114 = arith.constant 0 : index
      %swap3A_115 = vector.load %arg7[%swap3A_113, %swap3A_114] : memref<1024x16xf32, #tpu.memory_space<vmem>>, vector<1024x16xf32>
      tpu.vector_store %arg7[%swap3A_113, %swap3A_114], %select_n3A_112 {strides = array<i32>} : memref<1024x16xf32, #tpu.memory_space<vmem>>, vector<1024x16xf32>,
      %broadcast_in_dim3A_116 = vector.shape_cast %select_n3A_83 : vector<1024x1xi32> to vector<1024x1xi32>
      %broadcast_in_dim3A_117 = vector.broadcast %broadcast_in_dim3A_116 : vector<1024x1xi32> to vector<1024x16xi32>
      %select_n3A_118 = arith.select %eq3A_106, %broadcast_in_dim3A_117, %concatenate3A_104 : vector<1024x16xi1>, vector<1024x16xi32>
      %select_n3A_119 = arith.select %lt3A_108, %get3A_89, %select_n3A_118 : vector<1024x16xi1>, vector<1024x16xi32>
      %swap3A_120 = arith.constant 0 : index
      %swap3A_121 = arith.constant 0 : index
      %swap3A_122 = vector.load %arg8[%swap3A_120, %swap3A_121] : memref<1024x16xi32, #tpu.memory_space<vmem>>, vector<1024x16xi32>
      tpu.vector_store %arg8[%swap3A_120, %swap3A_121], %select_n3A_119 {strides = array<i32>} : memref<1024x16xi32, #tpu.memory_space<vmem>>, vector<1024x16xi32>,
    }
    %while3A_47 = arith.constant 1 : i32
    scf.for %while3A_53 = %while3A_45 to %while3A_41 step %while3A_47  : i32 {
      %get3A_54 = arith.constant 0 : index
      %get3A_55 = arith.constant 0 : index
      %get3A_56 = vector.load %arg6[%get3A_54, %get3A_55] : memref<1024x1024xf32, #tpu.memory_space<vmem>>, vector<1024x1024xf32>
      %reduce_min3A = arith.constant dense<0x7F800000> : vector<1024xf32>
      %reduce_min3A_57 = vector.multi_reduction <minimumf>, %get3A_56, %reduce_min3A [1] : vector<1024x1024xf32> to vector<1024xf32>
      %broadcast_in_dim3A_58 = vector.shape_cast %reduce_min3A_57 : vector<1024xf32> to vector<1024x1xf32>
      %eq3A_59 = vector.broadcast %broadcast_in_dim3A_58 : vector<1024x1xf32> to vector<1024x1024xf32>
      %eq3A_60 = arith.cmpf oeq, %get3A_56, %eq3A_59 : vector<1024x1024xf32>
      %jit3A_61 = arith.constant 0x7F800000 : f32
      %broadcast_in_dim3A_62 = vector.broadcast %jit3A_61 : f32 to vector<1024x1024xf32>
      %select_n3A_63 = arith.select %eq3A_60, %convert_element_type3A_34, %broadcast_in_dim3A_62 : vector<1024x1024xi1>, vector<1024x1024xf32>
      %reduce_min3A_64 = arith.constant dense<0x7F800000> : vector<1024xf32>
      %reduce_min3A_65 = vector.multi_reduction <minimumf>, %select_n3A_63, %reduce_min3A_64 [1] : vector<1024x1024xf32> to vector<1024xf32>
      %broadcast_in_dim3A_66 = vector.shape_cast %reduce_min3A_65 : vector<1024xf32> to vector<1024x1xf32>
      %eq3A_67 = vector.broadcast %broadcast_in_dim3A_66 : vector<1024x1xf32> to vector<1024x1024xf32>
      %eq3A_68 = arith.cmpf oeq, %convert_element_type3A_34, %eq3A_67 : vector<1024x1024xf32>
      %and3A = arith.andi %eq3A_60, %eq3A_68 : vector<1024x1024xi1>
      %jit3A_69 = arith.constant 0x7F800000 : f32
      %broadcast_in_dim3A_70 = vector.broadcast %jit3A_69 : f32 to vector<1024x1024xf32>
      %select_n3A_71 = arith.select %and3A, %broadcast_in_dim3A_70, %get3A_56 : vector<1024x1024xi1>, vector<1024x1024xf32>
      %swap3A_72 = arith.constant 0 : index
      %swap3A_73 = arith.constant 0 : index
      %swap3A_74 = vector.load %arg6[%swap3A_72, %swap3A_73] : memref<1024x1024xf32, #tpu.memory_space<vmem>>, vector<1024x1024xf32>
      tpu.vector_store %arg6[%swap3A_72, %swap3A_73], %select_n3A_71 {strides = array<i32>} : memref<1024x1024xf32, #tpu.memory_space<vmem>>, vector<1024x1024xf32>,
      %lt3A_75 = arith.constant 0x7F800000 : f32
      %lt3A_76 = vector.broadcast %lt3A_75 : f32 to vector<1024x1xf32>
      %lt3A_77 = arith.cmpf olt, %broadcast_in_dim3A_58, %lt3A_76 : vector<1024x1xf32>
      %convert_element_type3A_78 = arith.fptosi %broadcast_in_dim3A_66 : vector<1024x1xf32> to vector<1024x1xi32>
      %add3A_79 = vector.broadcast %mul3A_37 : i32 to vector<1024x1xi32>
      %add3A_80 = arith.addi %add3A_79, %convert_element_type3A_78 : vector<1024x1xi32>
      %jit3A_81 = arith.constant 2147483647 : i32
      %broadcast_in_dim3A_82 = vector.broadcast %jit3A_81 : i32 to vector<1024x1xi32>
      %select_n3A_83 = arith.select %lt3A_77, %add3A_80, %broadcast_in_dim3A_82 : vector<1024x1xi1>, vector<1024x1xi32>
      %get3A_84 = arith.constant 0 : index
      %get3A_85 = arith.constant 0 : index
      %get3A_86 = vector.load %arg7[%get3A_84, %get3A_85] : memref<1024x16xf32, #tpu.memory_space<vmem>>, vector<1024x16xf32>
      %get3A_87 = arith.constant 0 : index
      %get3A_88 = arith.constant 0 : index
      %get3A_89 = vector.load %arg8[%get3A_87, %get3A_88] : memref<1024x16xi32, #tpu.memory_space<vmem>>, vector<1024x16xi32>
      %lt3A_90 = vector.broadcast %broadcast_in_dim3A_58 : vector<1024x1xf32> to vector<1024x16xf32>
      %lt3A_91 = arith.cmpf olt, %get3A_86, %lt3A_90 : vector<1024x16xf32>
      %eq3A_92 = vector.broadcast %broadcast_in_dim3A_58 : vector<1024x1xf32> to vector<1024x16xf32>
      %eq3A_93 = arith.cmpf oeq, %get3A_86, %eq3A_92 : vector<1024x16xf32>
      %lt3A_94 = vector.broadcast %select_n3A_83 : vector<1024x1xi32> to vector<1024x16xi32>
      %lt3A_95 = arith.cmpi slt, %get3A_89, %lt3A_94 : vector<1024x16xi32>
      %and3A_96 = arith.andi %eq3A_93, %lt3A_95 : vector<1024x16xi1>
      %or3A = arith.ori %lt3A_91, %and3A_96 : vector<1024x16xi1>
      %convert_element_type3A_97 = arith.extui %or3A : vector<1024x16xi1> to vector<1024x16xi32>
      %reduce_sum3A_98 = arith.constant dense<0> : vector<1024xi32>
      %reduce_sum3A_99 = vector.multi_reduction <add>, %convert_element_type3A_97, %reduce_sum3A_98 [1] : vector<1024x16xi32> to vector<1024xi32>
      %broadcast_in_dim3A_100 = vector.shape_cast %reduce_sum3A_99 : vector<1024xi32> to vector<1024x1xi32>
      %slice3A = vector.extract_strided_slice %get3A_86 {offsets = [0, 0], sizes = [1024, 1], strides = [1, 1]} : vector<1024x16xf32> to vector<1024x1xf32>
      %slice3A_101 = vector.extract_strided_slice %get3A_86 {offsets = [0, 0], sizes = [1024, 15], strides = [1, 1]} : vector<1024x16xf32> to vector<1024x15xf32>
      %concatenate3A = tpu.concatenate %slice3A, %slice3A_101 in 1 : vector<1024x1xf32>, vector<1024x15xf32> -> vector<1024x16xf32>
      %slice3A_102 = vector.extract_strided_slice %get3A_89 {offsets = [0, 0], sizes = [1024, 1], strides = [1, 1]} : vector<1024x16xi32> to vector<1024x1xi32>
      %slice3A_103 = vector.extract_strided_slice %get3A_89 {offsets = [0, 0], sizes = [1024, 15], strides = [1, 1]} : vector<1024x16xi32> to vector<1024x15xi32>
      %concatenate3A_104 = tpu.concatenate %slice3A_102, %slice3A_103 in 1 : vector<1024x1xi32>, vector<1024x15xi32> -> vector<1024x16xi32>
      %eq3A_105 = vector.broadcast %broadcast_in_dim3A_100 : vector<1024x1xi32> to vector<1024x16xi32>
      %eq3A_106 = arith.cmpi eq, %iota3A_35, %eq3A_105 : vector<1024x16xi32>
      %lt3A_107 = vector.broadcast %broadcast_in_dim3A_100 : vector<1024x1xi32> to vector<1024x16xi32>
      %lt3A_108 = arith.cmpi slt, %iota3A_35, %lt3A_107 : vector<1024x16xi32>
      %broadcast_in_dim3A_109 = vector.shape_cast %broadcast_in_dim3A_58 : vector<1024x1xf32> to vector<1024x1xf32>
      %broadcast_in_dim3A_110 = vector.broadcast %broadcast_in_dim3A_109 : vector<1024x1xf32> to vector<1024x16xf32>
      %select_n3A_111 = arith.select %eq3A_106, %broadcast_in_dim3A_110, %concatenate3A : vector<1024x16xi1>, vector<1024x16xf32>
      %select_n3A_112 = arith.select %lt3A_108, %get3A_86, %select_n3A_111 : vector<1024x16xi1>, vector<1024x16xf32>
      %swap3A_113 = arith.constant 0 : index
      %swap3A_114 = arith.constant 0 : index
      %swap3A_115 = vector.load %arg7[%swap3A_113, %swap3A_114] : memref<1024x16xf32, #tpu.memory_space<vmem>>, vector<1024x16xf32>
      tpu.vector_store %arg7[%swap3A_113, %swap3A_114], %select_n3A_112 {strides = array<i32>} : memref<1024x16xf32, #tpu.memory_space<vmem>>, vector<1024x16xf32>,
      %broadcast_in_dim3A_116 = vector.shape_cast %select_n3A_83 : vector<1024x1xi32> to vector<1024x1xi32>
      %broadcast_in_dim3A_117 = vector.broadcast %broadcast_in_dim3A_116 : vector<1024x1xi32> to vector<1024x16xi32>
      %select_n3A_118 = arith.select %eq3A_106, %broadcast_in_dim3A_117, %concatenate3A_104 : vector<1024x16xi1>, vector<1024x16xi32>
      %select_n3A_119 = arith.select %lt3A_108, %get3A_89, %select_n3A_118 : vector<1024x16xi1>, vector<1024x16xi32>
      %swap3A_120 = arith.constant 0 : index
      %swap3A_121 = arith.constant 0 : index
      %swap3A_122 = vector.load %arg8[%swap3A_120, %swap3A_121] : memref<1024x16xi32, #tpu.memory_space<vmem>>, vector<1024x16xi32>
      tpu.vector_store %arg8[%swap3A_120, %swap3A_121], %select_n3A_119 {strides = array<i32>} : memref<1024x16xi32, #tpu.memory_space<vmem>>, vector<1024x16xi32>,
    }
    %eq3A_48 = arith.constant 97 : i32
    %eq3A_49 = arith.cmpi eq, %arg0, %eq3A_48 : i32
    %convert_element_type3A_50 = arith.extui %eq3A_49 : i1 to i32
    %cond3A_51 = arith.constant 0 : i32
    %cond3A_52 = arith.cmpi ne, %convert_element_type3A_50, %cond3A_51 : i32
    scf.if %cond3A_52 {
      %get3A_53 = arith.constant 0 : index
      %get3A_54 = arith.constant 0 : index
      %get3A_55 = vector.load %arg8[%get3A_53, %get3A_54] : memref<1024x16xi32, #tpu.memory_space<vmem>>, vector<1024x16xi32>
      %swap3A_56 = arith.constant 0 : index
      %swap3A_57 = arith.constant 0 : index
      %swap3A_58 = vector.load %arg5[%swap3A_56, %swap3A_57] : memref<1024x16xi32, #tpu.memory_space<vmem>>, vector<1024x16xi32>
      tpu.vector_store %arg5[%swap3A_56, %swap3A_57], %get3A_55 {strides = array<i32>} : memref<1024x16xi32, #tpu.memory_space<vmem>>, vector<1024x16xi32>,
    } else {
    }
    return
  }
  func.func @transform_0(%arg0: i32) -> (i32, i32) {
    %c0_i32 = arith.constant 0 : i32
    %c0_i32_0 = arith.constant 0 : i32
    %c0_i32_1 = arith.constant 0 : i32
    return %c0_i32, %c0_i32_0 : i32, i32
  }
  func.func @transform_1(%arg0: i32) -> (i32, i32) {
    %c0_i32 = arith.constant 0 : i32
    %c0_i32_0 = arith.constant 0 : i32
    %c0_i32_1 = arith.constant 0 : i32
    return %c0_i32, %c0_i32_0 : i32, i32
  }
  func.func @transform_2(%arg0: i32) -> (i32, i32) {
    %c0_i32 = arith.constant 0 : i32
    %c0_i32_0 = arith.constant 0 : i32
    return %arg0, %c0_i32 : i32, i32
  }
  func.func @transform_3(%arg0: i32) -> (i32, i32, i32) {
    %c0_i32 = arith.constant 0 : i32
    %c0_i32_0 = arith.constant 0 : i32
    %c0_i32_1 = arith.constant 0 : i32
    return %arg0, %c0_i32, %c0_i32_0 : i32, i32, i32
  }
  func.func @transform_4(%arg0: i32) -> (i32, i32) {
    %c0_i32 = arith.constant 0 : i32
    %c0_i32_0 = arith.constant 0 : i32
    %c0_i32_1 = arith.constant 0 : i32
    return %c0_i32, %c0_i32_0 : i32, i32
  }
}

</mosaic_0001>

<sc_bundles>
// kernel: kernel.4.cloned.1.call-start
scs
__scs_entry_jumppad:
0x0: {  	(pc) =	sbr.rel $0x88, $3  }
0x1: {  	(tag) =	ssettag $0x0;
	lr =	simm.s32 $0x1  }
0x2: {  	[smem:$0x3F9E] =	sst lr;
	_ =	strace $0xD0000000  }
0x3: {  	_ = 	snop  }
0x4: {  	_ = 	snop  }
0x5: {  	_ = 	snop  }
0x6: {  	_ = 	snop  }
0x7: {  	_ = 	snop  }
__scs_overlays_trampoline_lowered:
0x8: {  	[smem:$0x3FAD] =	sst s0  }
0x9: {  	[smem:$0x3FAE] =	sst s1  }
0xa: {  	[smem:$0x3FAF] =	sst s2  }
0xb: {  	[smem:$0x3FB0] =	sst s3  }
0xc: {  	[smem:$0x3FB1] =	sst s4  }
0xd: {  	[smem:$0x3FB2] =	sst s5  }
0xe: {  	[smem:$0x3FB3] =	sst s6  }
0xf: {  	[smem:$0x3FB4] =	sst s7  }
0x10: {  	[smem:$0x3FB5] =	sst s8  }
0x11: {  	[smem:$0x3FB6] =	sst s9;
	s0 =	simm.s32 @!p0 $0x0  }
0x12: {  	s1 =	sld [smem:$0x3F9C];
	s0 =	simm.s32 @p0 $0x1  }
0x13: {  	[smem:$0x3FB7] =	sst s0;
	s0 =	simm.s32 @!p1 $0x0  }
0x14: {  	s2 =	sld [smem:$0x3F9B];
	s0 =	simm.s32 @p1 $0x1  }
0x15: {  	[smem:$0x3FB8] =	sst s0;
	s0 =	simm.s32 @!p2 $0x0  }
0x16: {  	s3 =	sld [smem:$0x3FDB];
	s0 =	simm.s32 @p2 $0x1  }
0x17: {  	s4 =	simm.s32 $0x1BF5;
	[smem:$0x3FBA] =	sst s0  }
0x18: {  	s0 =	sld [smem:$0x3F9D];
	_ =	swait.ge [sflag:s4], $0x0  }
0x19: {  	s7 =	sld [smem:$0x3F9E]  }
0x1a: {  	s8 =	sadd.s32 $0xFFFFE003, lr  }
0x1b: {  	s9 =	sadd.s32 $0xFFFFFEF7, lr;
	s5 =	simm.s32 $0xFFFFFFFF;
	p2 =	slt.u32 s8, $0xFFFFF086  }
0x1c: {  	p1 =	slt.u32 s9, $0xF7A;
	s5 =	simm.s32 @!p2 $0x0  }
0x1d: {  	s5 =	simm.s32 @p1 $0x1;
	p0 =	seq.s32 s7, s2  }
0x1e: {  	s7 =	smul.u32 @!p0 $0xF7A, s2;
	p2 =	seq.s32 @!p0 s5, $0x0  }
0x1f: {  	s9 =	smul.u32 $0xF7A, s1;
	s8 =	simm.s32 @!p0 $0x1BF5;
	p2 =	por !p2, p0  }
0x20: {  	[sflag:s8] =	ssyncset.s32 @!p0 $0xFFFFF086;
	s6 =	sadd.s32 @!p0 s3, s7;
	s7 =	simm.s32 @!p0 $0x108  }
0x21: {  	s3 =	sadd.s32 s3, s9;
	s6 =	sadd.s32 @!p0 $0x88, s6;
	s7 =	simm.s32 @p2 $0x1082  }
0x22: {  	[simem:s7], [sflag:s8] =	dma.local @!p0 [hbm:s6], $0xF7A  }
0x23: {  	s9 =	sor.u32 $0xD0000000, s2;
	s6 =	simm.s32 $0x108;
	_ =	swait.ge @!p0 [sflag:s8], $0x0  }
0x24: {  	s3 =	sadd.s32 $0x88, s3;
	s6 =	simm.s32 @!p1 $0x1082;
	[sflag:s4] =	ssyncset.s32 $0xFFFFF086  }
0x25: {  	[simem:s6], [sflag:s4] =	dma.local [hbm:s3], $0xF7A  }
0x26: {  	[smem:$0x3F9E] =	sst s1;
	(tag) =	ssettag s2;
	_ =	strace s9  }
0x27: {  	s1 =	sld [smem:$0x3FAE]  }
0x28: {  	s2 =	sld [smem:$0x3FAF]  }
0x29: {  	s4 =	sld [smem:$0x3FB1]  }
0x2a: {  	p0 =	seq.s32 s5, $0x0;
	s5 =	sld [smem:$0x3FB2]  }
0x2b: {  	s6 =	sld [smem:$0x3FB3]  }
0x2c: {  	s7 =	sld [smem:$0x3FB4]  }
0x2d: {  	s3 =	simm.s32 $0x108;
	s8 =	sld [smem:$0x3FB5]  }
0x2e: {  	s3 =	simm.s32 @!p0 $0x1082;
	s9 =	sld [smem:$0x3FB6]  }
0x2f: {  	lr =	sadd.s32 s0, s3;
	s0 =	sld [smem:$0x3FAD]  }
0x30: {  	s3 =	sld [smem:$0x3FB0]  }
0x31: {  	[smem:$0x3FB9] =	sst s10  }
0x32: {  	s10 =	sld [smem:$0x3FB7];
	_ =	sdelay $0x3  }
0x33: {  	p0 =	seq.s32 s10, $0x1;
	s10 =	sld [smem:$0x3FB9];
	_ =	sdelay $0x3  }
0x34: {  	[smem:$0x3FB9] =	sst s10  }
0x35: {  	s10 =	sld [smem:$0x3FB8];
	_ =	sdelay $0x3  }
0x36: {  	p1 =	seq.s32 s10, $0x1;
	s10 =	sld [smem:$0x3FB9];
	_ =	sdelay $0x3  }
0x37: {  	[smem:$0x3FB9] =	sst s10  }
0x38: {  	s10 =	sld [smem:$0x3FBA]  }
0x39: {  	_ = 	snop;
	(pc) =	sbr.ind lr, $3  }
0x3a: {  	_ = 	snop  }
0x3b: {  	_ = 	snop  }
0x3c: {  	p2 =	seq.s32 s10, $0x1;
	s10 =	sld [smem:$0x3FB9]  }
0x3d: {  	_ =	shalt  }
0x3e: {  	_ =	shalt  }
0x3f: {  	_ =	shalt  }
0x40: {  	_ =	shalt  }
0x41: {  	_ =	shalt  }
0x42: {  	_ =	shalt  }
0x43: {  	_ =	shalt  }
0x44: {  	_ =	shalt  }
0x45: {  	_ =	shalt  }
0x46: {  	_ =	shalt  }
0x47: {  	_ =	shalt  }
0x48: {  	_ =	shalt  }
0x49: {  	_ =	shalt  }
0x4a: {  	_ =	shalt  }
0x4b: {  	_ =	shalt  }
0x4c: {  	_ =	shalt  }
0x4d: {  	_ =	shalt  }
0x4e: {  	_ =	shalt  }
0x4f: {  	_ =	shalt  }
0x50: {  	_ =	shalt  }
0x51: {  	_ =	shalt  }
0x52: {  	_ =	shalt  }
0x53: {  	_ =	shalt  }
0x54: {  	_ =	shalt  }
0x55: {  	_ =	shalt  }
0x56: {  	_ =	shalt  }
0x57: {  	_ =	shalt  }
0x58: {  	_ =	shalt  }
0x59: {  	_ =	shalt  }
0x5a: {  	_ =	shalt  }
0x5b: {  	_ =	shalt  }
0x5c: {  	_ =	shalt  }
0x5d: {  	_ =	shalt  }
0x5e: {  	_ =	shalt  }
0x5f: {  	_ =	shalt  }
0x60: {  	_ =	shalt  }
0x61: {  	_ =	shalt  }
0x62: {  	_ =	shalt  }
0x63: {  	_ =	shalt  }
0x64: {  	_ =	shalt  }
0x65: {  	_ =	shalt  }
0x66: {  	_ =	shalt  }
0x67: {  	_ =	shalt  }
0x68: {  	_ =	shalt  }
0x69: {  	_ =	shalt  }
0x6a: {  	_ =	shalt  }
0x6b: {  	_ =	shalt  }
0x6c: {  	_ =	shalt  }
0x6d: {  	_ =	shalt  }
0x6e: {  	_ =	shalt  }
0x6f: {  	_ =	shalt  }
0x70: {  	_ =	shalt  }
0x71: {  	_ =	shalt  }
0x72: {  	_ =	shalt  }
0x73: {  	_ =	shalt  }
0x74: {  	_ =	shalt  }
0x75: {  	_ =	shalt  }
0x76: {  	_ =	shalt  }
0x77: {  	_ =	shalt  }
0x78: {  	_ =	shalt  }
0x79: {  	_ =	shalt  }
0x7a: {  	_ =	shalt  }
0x7b: {  	_ =	shalt  }
0x7c: {  	_ =	shalt  }
0x7d: {  	_ =	shalt  }
0x7e: {  	_ =	shalt  }
0x7f: {  	_ =	shalt  }
0x80: {  	_ =	shalt  }
0x81: {  	_ =	shalt  }
0x82: {  	_ =	shalt  }
0x83: {  	_ =	shalt  }
0x84: {  	_ =	shalt  }
0x85: {  	_ =	shalt  }
0x86: {  	_ =	shalt  }
0x87: {  	_ =	shalt  }
.Lfunc_end0:
.L_simem_size_0:
called_computation_lowered:
.L_overlay_start_0:
0x88: {  	s2 =	sld [smem:$0x3FD9]  }
0x89: {  	s3 =	sld [smem:$0x3FFE];
	_ =	sdelay $0x1  }
0x8a: {  	s1 =	srdreg.scid  }
0x8b: {  	s0 =	sand.u32 $0x1, s1  }
0x8c: {  	s17 =	sshll.u32 s0, $0xA;
	s2 =	sadd.s32 s3, s2  }
0x8d: {  	s2 =	sadd.s32 s2, s17  }
0x8e: {  	[smem:$0x3FC5] =	sst s2  }
0x8f: {  	_ = 	snop  }
0x90: {  	s2 =	sld [smem:$0x3FD0];
	(tm) =	ssettm $0x1  }
0x91: {  	s18 =	sld [smem:$0x3FFB];
	_ =	sdelay $0x3  }
0x92: {  	_ =	strace s18  }
0x93: {  	s3 =	sld [smem:$0x3FFC];
	_ =	sdelay $0x3  }
0x94: {  	_ =	strace s3  }
0x95: {  	s3 =	sld [smem:$0x3FFD];
	_ =	sdelay $0x3  }
0x96: {  	_ =	strace s3  }
0x97: {  	_ =	strace $0x8FFFFFFF  }
0x98: {  	s19 =	sld [smem:$0x3FDB];
	_ =	sdelay $0x1  }
0x99: {  	s4 =	simm.s32 $_scs_section_size  }
0x9a: {  	s5 =	simm.s32 $_size__tile_overlayer_lowered;
	s6 =	simm.s32 $_tile_overlayer_lowered  }
0x9b: {  	s22 =	simm.s32 $0x1BFF;
	s21 =	sshll.u32 s6, $0x1;
	s3 =	sadd.s32 s4, s19  }
0x9c: {  	s7 =	simm.s32 $0x0;
	s20 =	sshll.u32 s5, $0x1;
	s5 =	sadd.s32 s21, s3  }
0x9d: {  	[timem:s7], [sflag:s22] =	dma.local [hbm:s5], s20  }
0x9e: {  	_ =	swait.ge [sflag:s22], s20  }
0x9f: {  	s4 =	ssub.s32 $0x0, s20;
	[sflag:s22] =	ssyncset.done $0x0  }
0xa0: {  	[sflag:s22] =	ssyncadd.s32 s4;
	_ =	sdelay $0x1  }
0xa1: {  	s23 =	simm.s32 $0x1B8B  }
0xa2: {  	_ =	swait.ge [sflag:s23], $0x1  }
0xa3: {  	[sflag:s23] =	ssyncset.done $0x0  }
0xa4: {  	s25 =	simm.s32 $0x1B8E;
	s24 =	sld [smem:$0x3FFE];
	[sflag:s23] =	ssyncadd.s32 $0xFFFFFFFF  }
0xa5: {  	s26 =	simm.s32 $execute0_lowered;
	[smem:$0x3FD2] =	sst s25  }
0xa6: {  	s5 =	sshll.u32 s26, $0x1;
	_ =	strace $0x80000046;
	[dreg:$0x1] =	wrdreg $0xFFFFFFFF  }
0xa7: {  	s28 =	simm.s32 $_size_execute0_lowered;
	s3 =	sadd.s32 s3, s5;
	[dreg:$0x0] =	wrdreg $0x0  }
0xa8: {  	s5 =	sshll.u32 s28, $0x1;
	[dreg:$0x2] =	wrdreg s3  }
0xa9: {  	[dreg:$0x3] =	wrdreg s5  }
0xaa: {  	[dreg:$0x4] =	wrdreg $0xC0  }
0xab: {  	_ =	task [dreg:s7], $0x5FFFF  }
0xac: {  	[dreg:$0x1] =	wrdreg $0xFFFFFFFF  }
0xad: {  	[dreg:$0x0] =	wrdreg $0x60  }
0xae: {  	[dreg:$0x2] =	wrdreg s24  }
0xaf: {  	[dreg:$0x3] =	wrdreg s2  }
0xb0: {  	[dreg:$0x4] =	wrdreg $0x9  }
0xb1: {  	_ =	task.clear_ibuf [dreg:s7], $0x5FFFF;
	_ =	strace $0x90000046  }
0xb2: {  	s29 =	simm.s32 $0x9;
	_ =	strace $0x80000048  }
0xb3: {  	_ =	swait.ge [sflag:s29], $0x1  }
0xb4: {  	[sflag:s29] =	ssyncadd.s32 $0xFFFFFFFF  }
0xb5: {  	_ =	strace $0x90000048  }
0xb6: {  	_ =	sfence  }
0xb7: {  	s30 =	sld [smem:$0x0];
	_ =	sdelay $0x2  }
0xb8: {  	s31 =	sshll.u32 s1, $0xD;
	s1 =	sshrl.u32 s1, $0x2  }
0xb9: {  	s3 =	sand.u32 $0x4000, s31;
	s1 =	sadd.s32 s1, s30  }
0xba: {  	s0 =	sor.u32 s3, s0;
	s1 =	sshll.u32 s1, $0x11  }
0xbb: {  	s0 =	sor.u32 s1, s0  }
0xbc: {  	s0 =	sadd.s32 $0x8F2B, s0  }
0xbd: {  	[sflag:s0] =	ssyncadd.remote.s32 $0x1  }
0xbe: {  	_ =	sfence.sel $0xFFFF  }
0xbf: {  	[dreg:$0x0] =	wrdreg $0xFFFFFFFF;
	(pc) =	sbr.abs _section_cstart, $3  }
0xc0: {  	[dreg:$0x1] =	wrdreg $0xFFFFFFFF  }
0xc1: {  	_ =	task.clear_ibuf [dreg:s7], $0x2FFFF;
	_ =	strace $0x9FFFFFFF  }
0xc2: {  	(tm) =	ssettm $0x7FFFFFFF  }
0xc3: {  	_ =	shalt  }
tec
execute0_lowered:
.L_overlay_start_1:
0x0: {  	(tag) =	ssettag $0x1  }
0x1: {  	s1 =	srdreg.scid;
	s0 =	stileid.u32  }
0x2: {  	s8 =	rddreg [dreg:$0x0];
	s6 =	sand.u32 $0x1, s1;
	s30 =	sshll.u32 s0, $0x1  }
0x3: {  	s3 =	rddreg [dreg:$0x1];
	s2 =	simm.s32 $0x0;
	s9 =	sor.u32 s6, s30  }
0x4: {  	[smem:$0x7FF] =	sst s2;
	s4 =	smul.u32 $0x28, s9  }
0x5: {  	s1 =	rddreg [dreg:$0x2];
	_ =	strace $0x80000047  }
0x6: {  	s10 =	ssub.s32 $0x2, s6;
	s4 =	sadd.s32 s3, s4;
	s3 =	simm.s32 $0x2  }
0x7: {  	[tilespmem:s2], [sflag:$0x2] =	stream.linear.gather [hbm4b:s4+s2], $0x140, $0x38;
	[tilespmem:$0xB540] =	vst v63  }
0x8: {  	s7 =	simm.s32 $0x1;
	s11 =	sshrl.u32 s10, $0x1;
	_ =	swait.ge [sflag:s3], $0x140  }
0x9: {  	s5 =	sadd.s32 $0x61BE00, s8;
	s10 =	ssub.s32 s10, s11;
	[sflag:s3] =	ssyncset.done $0x0  }
0xa: {  	s6 =	simm.s32 $0x140;
	s31 =	smax.u32 s10, $0x1;
	[sflag:s3] =	ssyncadd.s32 $0xFFFFFEC0  }
0xb: {  	[tilespmem:s6], [sflag:$0x1] =	stream.indirect.gather [hbm4b:s5+s6], $0x90, s2, s6, $0xb8;
	[tilespmem:$0xB540] =	vst v63  }
0xc: {  	s9 =	smul.u32 $0x1680, s9;
	p0 =	sne.s32 s31, $0x1;
	_ =	swait.ge [sflag:s7], $0xB400  }
.Ltmp0:
0xd: {  	[sflag:s7] =	ssyncset.done $0x0;
	(pc) =	sbr.rel @!p0 .LBB2_2-.Ltmp0, $4  }
0xe: {  	s8 =	sadd.s32 s8, s9;
	[sflag:s7] =	ssyncadd.s32 $0xFFFF4C00  }
0xf: {  	[hbm4b:s8+s2] =	stream.linear.scatter [tilespmem:s6], [sflag:$0x2], $0xB400, $0x38;
	[tilespmem:$0xB540] =	vst v63  }
0x10: {  	_ =	swait.ge [sflag:s3], $0xB400  }
0x11: {  	s9 =	sadd.s32 $0xFFFFFFFF, s31;
	[sflag:s3] =	ssyncset.done $0x0  }
.LBB2_1:
0x12: {  	p0 =	sne.s32 s9, $0x1;
	s9 =	sadd.s32 $0xFFFFFFFF, s9;
	[sflag:s3] =	ssyncadd.s32 $0xFFFF4C00  }
0x13: {  	[tilespmem:s2], [sflag:$0x2] =	stream.linear.gather [hbm4b:s4+s2], $0x140, $0x38;
	[tilespmem:$0xB540] =	vst v63  }
0x14: {  	_ =	swait.ge [sflag:s3], $0x140  }
0x15: {  	[sflag:s3] =	ssyncset.done $0x0  }
0x16: {  	[sflag:s3] =	ssyncadd.s32 $0xFFFFFEC0  }
0x17: {  	[tilespmem:s6], [sflag:$0x1] =	stream.indirect.gather [hbm4b:s5+s6], $0x90, s2, s6, $0xb8;
	[tilespmem:$0xB540] =	vst v63  }
0x18: {  	_ =	swait.ge [sflag:s7], $0xB400  }
.Ltmp1:
0x19: {  	[sflag:s7] =	ssyncset.done $0x0;
	(pc) =	sbr.rel @p0 .LBB2_1-.Ltmp1, $4  }
0x1a: {  	[sflag:s7] =	ssyncadd.s32 $0xFFFF4C00  }
0x1b: {  	[hbm4b:s8+s2] =	stream.linear.scatter [tilespmem:s6], [sflag:$0x2], $0xB400, $0x38;
	[tilespmem:$0xB540] =	vst v63  }
0x1c: {  	_ =	swait.ge [sflag:s3], $0xB400  }
0x1d: {  	[sflag:s3] =	ssyncset.done $0x0  }
.LBB2_2:
0x1e: {  	[sflag:s3] =	ssyncadd.s32 $0xFFFF4C00  }
0x1f: {  	_ =	sfence.sel $0x180000  }
0x20: {  	[bflag:$0x0] =	sbarrier.arrive $0xFFFF  }
0x21: {  	p0 =	sne.s32 s0, $0x0;
	_ =	strace $0x90000047  }
0x22: {  	s0 =	sadd.s32 @!p0 $0x100000, s1;
	[bflag:$0x2] =	sbarrier.arrive $0xFFFF  }
0x23: {  	[sflag:s0] =	ssyncadd.tile.s32 @!p0 $0x1;
	_ =	shalt  }
.Lfunc_end2:
_tile_overlayer_lowered:
.L_overlay_start_2:
0x24: {  	(tag) =	ssettag $0x2  }
0x25: {  	s0 =	rddreg [dreg:$0x0];
	s2 =	stileid.u32  }
0x26: {  	s1 =	rddreg [dreg:$0x1];
	p0 =	sne.s32 s2, $0x0  }
0x27: {  	s3 =	rddreg [dreg:$0x2];
	[bflag:$0x3] =	sbarrier.arrive $0xFFFF;
	s2 =	simm.s32 @!p0 $0x1C02  }
0x28: {  	[timem:s3], [sflag:s2] =	dma.local @!p0 [hbm:s0], s1  }
0x29: {  	s0 =	simm.s32 @!p0 $0x2  }
0x2a: {  	_ =	swait.ge @!p0 [sflag:s0], s1  }
0x2b: {  	s1 =	ssub.s32 @!p0 $0x0, s1;
	[sflag:s0] =	ssyncset.done @!p0 $0x0  }
0x2c: {  	[sflag:s0] =	ssyncadd.s32 @!p0 s1  }
0x2d: {  	[bflag:$0x3] =	sbarrier.arrive $0xFFFF  }
0x2e: {  	_ =	shalt  }

</sc_bundles>
